<compile_context>
chip_gen: v7x
topology: tpu7x:2x2x1
jax: 0.10.2.dev20260603
libtpu: 0.0.44.dev20260713+nightly
codegen_flags: <defaults>
</compile_context>

<pallas_src>
import functools

import jax
import jax.numpy as jnp
import numpy as np
from jax import lax
from jax.experimental import pallas as pl
from jax.experimental.pallas import tpu as pltpu
from jax.experimental.pallas import tpu_sc as plsc

EMBED = 512
_L = 16


def _make_pe(d_model, max_len):
    position = np.arange(max_len, dtype=np.float32)[:, None]
    div_term = np.exp(
        np.arange(0, d_model, 2, dtype=np.float32) * (-np.log(10000.0) / d_model)
    )
    pe = np.zeros((max_len, d_model), dtype=np.float32)
    pe[:, 0::2] = np.sin(position * div_term)
    pe[:, 1::2] = np.cos(position * div_term)
    return pe


def _sc_scan(ap_hbm, tp_hbm, out_hbm, ap_v, tp_v, idx_v, B, T_text, T_frame):
    r = lax.axis_index("s")

    pltpu.sync_copy(ap_hbm.at[r], ap_v.at[pl.ds(0, T_frame)])
    pltpu.sync_copy(tp_hbm.at[r], tp_v)
    lanes = lax.iota(jnp.int32, _L)
    ap_v[pl.ds(T_frame, _L)] = jnp.zeros((_L,), jnp.int32)
    idx_v[pl.ds(0, _L)] = jnp.zeros((_L,), jnp.float32)

    before0 = plsc.load_gather(tp_v, [jnp.zeros((_L,), jnp.int32)])
    cap = jnp.full((_L,), T_text - 1, jnp.int32)

    def cond(carry):
        f, _, _ = carry
        return f < T_frame

    def body(carry):
        f, p, before = carry
        av = ap_v[pl.ds(f, _L)]
        neq = av != before
        kv = plsc.all_reduce_ffs(neq)
        adv = kv < _L
        p_new = jnp.where(adv, p + 1, p)
        safe_new = jnp.minimum(p_new, cap)
        tpv = plsc.load_gather(tp_v, [safe_new])
        before_new = jnp.where(adv, tpv, before)
        safe_old_f = jnp.minimum(p, cap).astype(jnp.float32)
        val = jnp.where(lanes < kv, safe_old_f, safe_new.astype(jnp.float32))
        kcap = jnp.minimum(kv, _L - 1)
        plsc.store_scatter(
            idx_v, [f + lanes], val, mask=lanes <= kcap
        )
        k_s = jnp.min(kcap)
        return (f + k_s + 1, p_new, before_new)

    lax.while_loop(cond, body, (jnp.int32(1), jnp.zeros((_L,), jnp.int32), before0))
    pltpu.sync_copy(idx_v.at[pl.ds(0, T_frame)], out_hbm.at[r])


def _postnet_kernel(
    enc_ref,
    idx_ref,
    pitch_ref,
    beats_ref,
    wp_ref,
    bp_ref,
    w_ref,
    bpos_ref,
    emb_ref,
    pe_ref,
    out_ref,
    pew_scr,
    idxt_scr,
    pitcht_scr,
    beatst_scr,
    wt_scr,
):
    b = pl.program_id(0)
    B, T_frame = idx_ref.shape
    T_text = enc_ref.shape[1]

    @pl.when(b == 0)
    def _prologue():
        wt_scr[...] = jnp.transpose(w_ref[...], (1, 0)).astype(jnp.bfloat16)
        pew_scr[...] = (
            jnp.dot(pe_ref[...], wt_scr[...], preferred_element_type=jnp.float32)
            + bpos_ref[...]
            + bp_ref[...]
            + emb_ref[0:1, :]
        )
        idxt_scr[...] = jnp.transpose(idx_ref[...], (1, 0))
        pitcht_scr[...] = jnp.transpose(pitch_ref[...], (1, 0))
        beatst_scr[...] = jnp.transpose(
            beats_ref[...].astype(jnp.float32), (1, 0)
        )

    bhot = (
        jax.lax.broadcasted_iota(jnp.int32, (B, 1), 0) == b
    ).astype(jnp.float32)
    idx_col = jnp.dot(idxt_scr[...], bhot, preferred_element_type=jnp.float32)
    pitch_col = jnp.dot(pitcht_scr[...], bhot, preferred_element_type=jnp.float32)
    beats_col = jnp.dot(beatst_scr[...], bhot, preferred_element_type=jnp.float32)

    enc = enc_ref[0]
    g = enc + jnp.dot(
        enc.astype(jnp.bfloat16), wt_scr[...], preferred_element_type=jnp.float32
    )
    oh = (
        jax.lax.broadcasted_iota(jnp.int32, (T_frame, T_text), 1)
        == idx_col.astype(jnp.int32)
    ).astype(jnp.bfloat16)
    gathered = jnp.dot(
        oh, g.astype(jnp.bfloat16), preferred_element_type=jnp.float32
    )

    demb = emb_ref[1:2, :] - emb_ref[0:1, :]
    out_ref[0] = (
        gathered
        + pitch_col * wp_ref[...]
        + beats_col * demb
        + pew_scr[...]
    )


@jax.jit
def kernel(
    encoder_out,
    align_phone,
    text_phone,
    pitch,
    beats,
    fc_pitch_w,
    fc_pitch_b,
    fc_pos_w,
    fc_pos_b,
    emb_beats,
):
    B, T_text, D = encoder_out.shape
    T_frame = align_phone.shape[1]

    mesh = plsc.VectorSubcoreMesh(
        core_axis_name="c", subcore_axis_name="s", num_cores=1
    )
    scan = functools.partial(
        pl.kernel,
        mesh=mesh,
        out_type=jax.ShapeDtypeStruct((B, T_frame), jnp.float32),
        scratch_types=[
            pltpu.VMEM((T_frame + _L,), jnp.int32),
            pltpu.VMEM((T_text,), jnp.int32),
            pltpu.VMEM((T_frame + _L,), jnp.float32),
        ],
        compiler_params=pltpu.CompilerParams(needs_layout_passes=False),
    )(functools.partial(_sc_scan, B=B, T_text=T_text, T_frame=T_frame))
    idx_nat = scan(align_phone.astype(jnp.int32), text_phone.astype(jnp.int32))

    pitch_nat = jnp.squeeze(pitch, -1)
    beats_nat = jnp.squeeze(beats, -1)
    wp = fc_pitch_w.reshape(1, D)
    bp = fc_pitch_b.reshape(1, D)
    bpos = fc_pos_b.reshape(1, D)
    pe = jnp.asarray(_make_pe(D, T_frame)).astype(jnp.bfloat16)

    out = pl.pallas_call(
        _postnet_kernel,
        grid=(B,),
        in_specs=[
            pl.BlockSpec((1, T_text, D), lambda b: (b, 0, 0)),
            pl.BlockSpec((B, T_frame), lambda b: (0, 0)),
            pl.BlockSpec((B, T_frame), lambda b: (0, 0)),
            pl.BlockSpec((B, T_frame), lambda b: (0, 0)),
            pl.BlockSpec((1, D), lambda b: (0, 0)),
            pl.BlockSpec((1, D), lambda b: (0, 0)),
            pl.BlockSpec((D, D), lambda b: (0, 0)),
            pl.BlockSpec((1, D), lambda b: (0, 0)),
            pl.BlockSpec((2, D), lambda b: (0, 0)),
            pl.BlockSpec((T_frame, D), lambda b: (0, 0)),
        ],
        out_specs=pl.BlockSpec((1, T_frame, D), lambda b: (b, 0, 0)),
        out_shape=jax.ShapeDtypeStruct((B, T_frame, D), jnp.float32),
        scratch_shapes=[
            pltpu.VMEM((T_frame, D), jnp.float32),
            pltpu.VMEM((T_frame, B), jnp.float32),
            pltpu.VMEM((T_frame, B), jnp.float32),
            pltpu.VMEM((T_frame, B), jnp.float32),
            pltpu.VMEM((D, D), jnp.bfloat16),
        ],
        compiler_params=pltpu.CompilerParams(
            dimension_semantics=("arbitrary",),
        ),
    )(
        encoder_out,
        idx_nat,
        pitch_nat,
        beats_nat,
        wp,
        bp,
        fc_pos_w,
        bpos,
        emb_beats,
        pe,
    )
    return out

# --- scband reference (transcript-rebuilt; emitter-appended) ---
"""Pipeline reference for scband-encoder-postnet-66760971649240 (READ-ONLY COPY).

The authoritative reference and input builder live on the scoring server;
editing this copy changes nothing except your own understanding.
"""

import jax, jax.numpy as jnp
import numpy as np

EMBED = 512

def make_pe(d_model, max_len=5000):
    position = np.arange(max_len, dtype=np.float32)[:, None]
    div_term = np.exp(np.arange(0, d_model, 2, dtype=np.float32) * (-np.log(10000.0) / d_model))
    pe = np.zeros((max_len, d_model), dtype=np.float32)
    pe[:, 0::2] = np.sin(position * div_term)
    pe[:, 1::2] = np.cos(position * div_term)
    return jnp.asarray(pe[:, None, :])

def aligner_indices(align_phone, text_phone):
    # Faithful re-expression of Encoder_Postnet.aligner: the python scan computes,
    # per batch item, a frame->phone-position index map; the concatenations are a gather.
    ap = align_phone.astype(jnp.int32)
    tp = text_phone.astype(jnp.int32)
    T_text = tp.shape[1]

    def per_row(ap_row, tp_row):
        def step(carry, a_j):
            before, enc_ind = carry
            same = a_j == before
            new_enc = jnp.where(same, enc_ind, enc_ind + 1)
            safe = jnp.minimum(new_enc, T_text - 1)
            new_before = jnp.where(same, before, tp_row[safe])
            return (new_before, new_enc), new_enc

        init = (tp_row[0], jnp.int32(0))
        _, idxs = jax.lax.scan(step, init, ap_row[1:])
        return jnp.concatenate([jnp.zeros((1,), dtype=jnp.int32), idxs])

    return jax.vmap(per_row)(ap, tp)

def setup_inputs(seed: int = 0):
    key = jax.random.key(seed)
    k1, k2, k3, k4, k5, k6 = jax.random.split(key, 6)
    B, T_text, T_frame, D = 16, 128, 512, EMBED
    inp = {}
    inp["encoder_out"] = jax.random.normal(k1, (B, T_text, D), dtype=jnp.float32)
    inp["align_phone"] = jnp.zeros((B, T_frame), dtype=jnp.int32)
    inp["text_phone"] = jnp.zeros((B, T_text), dtype=jnp.int32)
    inp["pitch"] = jax.random.normal(k2, (B, T_frame, 1), dtype=jnp.float32)
    inp["beats"] = jax.random.randint(k3, (B, T_frame, 1), 0, 2, dtype=jnp.int32)
    inp["fc_pitch_w"] = jax.random.normal(k4, (D, 1), dtype=jnp.float32) * 0.02
    inp["fc_pitch_b"] = jnp.zeros((D,), dtype=jnp.float32)
    inp["fc_pos_w"] = jax.random.normal(k5, (D, D), dtype=jnp.float32) * 0.02
    inp["fc_pos_b"] = jnp.zeros((D,), dtype=jnp.float32)
    inp["emb_beats"] = jax.random.normal(k6, (2, D), dtype=jnp.float32)
    return inp

def reference(encoder_out, align_phone, text_phone, pitch, beats, fc_pitch_w, fc_pitch_b, fc_pos_w, fc_pos_b, emb_beats):
    idx = aligner_indices(align_phone, text_phone)
    gather_idx = jnp.minimum(idx, encoder_out.shape[1] - 1)
    aligner_out = jnp.take_along_axis(encoder_out, gather_idx[:, :, None], axis=1)
    # Hz2semitone=False -> fc_pitch: Linear(1, embed)
    pitch_e = pitch @ fc_pitch_w.T + fc_pitch_b
    out = aligner_out + pitch_e
    beats_e = jnp.take(emb_beats, jnp.squeeze(beats, -1), axis=0)
    out = out + beats_e
    # PositionalEncoding (dropout is identity in eval)
    pe = make_pe(encoder_out.shape[2])
    x = jnp.transpose(aligner_out, (1, 0, 2))
    pos_encode = x + pe[: x.shape[0]]
    pos_out = jnp.transpose(pos_encode, (1, 0, 2)) @ fc_pos_w.T + fc_pos_b
    out = out + pos_out
    return out

if __name__ == "__main__":
    import jax
    _d = setup_inputs()
    print(jax.jit(kernel)(*tuple(_d.values())))

</pallas_src>

<mosaic_0001>
#map = affine_map<(d0, d1) -> (0, 0)>
module attributes {stable_mosaic.version = 14 : i64} {
  func.func @_sc_scan(%arg0: i32, %arg1: i32, %arg2: memref<16x512xi32, #tpu.memory_space<hbm>>, %arg3: memref<16x128xi32, #tpu.memory_space<hbm>>, %arg4: memref<16x512xf32, #tpu.memory_space<hbm>>, %arg5: memref<528xi32, #tpu.memory_space<vmem>>, %arg6: memref<128xi32, #tpu.memory_space<vmem>>, %arg7: memref<528xf32, #tpu.memory_space<vmem>>) attributes {dimension_semantics = [#tpu.dimension_semantics<core_parallel>, #tpu.dimension_semantics<subcore_parallel>], iteration_bounds = array<i64: 1, 16>, scalar_prefetch = 0 : i64, scratch_operands = 3 : i64, tpu.core_type = #tpu.core_type<sc_vector_subcore>, window_params = [{transform_indices = #map}, {transform_indices = #map}, {transform_indices = #map}]} {
    "tpu.region"() ({
      %run_scoped3A = tpu.sem_alloc : memref<!tpu.dma_semaphore, #tpu.memory_space<semaphore_mem>>
      %dma_start3A = arith.constant 0 : i32
      %dma_start3A_13 = tpu.memref_slice %arg5[%dma_start3A] : memref<528xi32, #tpu.memory_space<vmem>> -> memref<512xi32, #tpu.memory_space<vmem>>
      %dma_start3A_14 = arith.constant 0 : i32
      %dma_start3A_15 = tpu.memref_slice %arg2[%arg1, %dma_start3A_14] : memref<16x512xi32, #tpu.memory_space<hbm>> -> memref<1x512xi32, #tpu.memory_space<hbm>>
      %dma_start3A_16 = tpu.memref_squeeze %dma_start3A_15 : memref<1x512xi32, #tpu.memory_space<hbm>> -> memref<512xi32, #tpu.memory_space<hbm>>
      %dma_start3A_17 = arith.constant 0 : i32
      %dma_start3A_18 = tpu.memref_slice %arg5[%dma_start3A_17] : memref<528xi32, #tpu.memory_space<vmem>> -> memref<512xi32, #tpu.memory_space<vmem>>
      %dma_start3A_19 = arith.constant 0 : i32
      %dma_start3A_20 = tpu.memref_slice %arg2[%arg1, %dma_start3A_19] : memref<16x512xi32, #tpu.memory_space<hbm>> -> memref<1x512xi32, #tpu.memory_space<hbm>>
      %dma_start3A_21 = tpu.memref_squeeze %dma_start3A_20 : memref<1x512xi32, #tpu.memory_space<hbm>> -> memref<512xi32, #tpu.memory_space<hbm>>
      tpu.enqueue_dma source(%dma_start3A_21 : memref<512xi32, #tpu.memory_space<hbm>>) target(%dma_start3A_18 : memref<512xi32, #tpu.memory_space<vmem>>) target_semaphore(%run_scoped3A : memref<!tpu.dma_semaphore, #tpu.memory_space<semaphore_mem>>)
      %dma_wait3A = arith.constant 0 : i32
      %dma_wait3A_22 = tpu.memref_slice %arg5[%dma_wait3A] : memref<528xi32, #tpu.memory_space<vmem>> -> memref<512xi32, #tpu.memory_space<vmem>>
      %dma_wait3A_23 = arith.constant 0 : i32
      %dma_wait3A_24 = tpu.memref_slice %arg2[%arg1, %dma_wait3A_23] : memref<16x512xi32, #tpu.memory_space<hbm>> -> memref<1x512xi32, #tpu.memory_space<hbm>>
      %dma_wait3A_25 = tpu.memref_squeeze %dma_wait3A_24 : memref<1x512xi32, #tpu.memory_space<hbm>> -> memref<512xi32, #tpu.memory_space<hbm>>
      %dma_wait3A_26 = arith.constant 0 : i32
      %dma_wait3A_27 = tpu.memref_slice %arg5[%dma_wait3A_26] : memref<528xi32, #tpu.memory_space<vmem>> -> memref<512xi32, #tpu.memory_space<vmem>>
      %dma_wait3A_28 = arith.constant 0 : i32
      %dma_wait3A_29 = tpu.memref_slice %arg2[%arg1, %dma_wait3A_28] : memref<16x512xi32, #tpu.memory_space<hbm>> -> memref<1x512xi32, #tpu.memory_space<hbm>>
      %dma_wait3A_30 = tpu.memref_squeeze %dma_wait3A_29 : memref<1x512xi32, #tpu.memory_space<hbm>> -> memref<512xi32, #tpu.memory_space<hbm>>
      tpu.wait_dma2 semaphore(%run_scoped3A : memref<!tpu.dma_semaphore, #tpu.memory_space<semaphore_mem>>) src(%dma_wait3A_30 : memref<512xi32, #tpu.memory_space<hbm>>) dst(%dma_wait3A_27 : memref<512xi32, #tpu.memory_space<vmem>>)
      tpu.yield
    }) : () -> ()
    "tpu.region"() ({
      %run_scoped3A = tpu.sem_alloc : memref<!tpu.dma_semaphore, #tpu.memory_space<semaphore_mem>>
      %dma_start3A = arith.constant 0 : i32
      %dma_start3A_13 = tpu.memref_slice %arg3[%arg1, %dma_start3A] : memref<16x128xi32, #tpu.memory_space<hbm>> -> memref<1x128xi32, #tpu.memory_space<hbm>>
      %dma_start3A_14 = tpu.memref_squeeze %dma_start3A_13 : memref<1x128xi32, #tpu.memory_space<hbm>> -> memref<128xi32, #tpu.memory_space<hbm>>
      %dma_start3A_15 = arith.constant 0 : i32
      %dma_start3A_16 = tpu.memref_slice %arg3[%arg1, %dma_start3A_15] : memref<16x128xi32, #tpu.memory_space<hbm>> -> memref<1x128xi32, #tpu.memory_space<hbm>>
      %dma_start3A_17 = tpu.memref_squeeze %dma_start3A_16 : memref<1x128xi32, #tpu.memory_space<hbm>> -> memref<128xi32, #tpu.memory_space<hbm>>
      tpu.enqueue_dma source(%dma_start3A_17 : memref<128xi32, #tpu.memory_space<hbm>>) target(%arg6 : memref<128xi32, #tpu.memory_space<vmem>>) target_semaphore(%run_scoped3A : memref<!tpu.dma_semaphore, #tpu.memory_space<semaphore_mem>>)
      %dma_wait3A = arith.constant 0 : i32
      %dma_wait3A_18 = tpu.memref_slice %arg3[%arg1, %dma_wait3A] : memref<16x128xi32, #tpu.memory_space<hbm>> -> memref<1x128xi32, #tpu.memory_space<hbm>>
      %dma_wait3A_19 = tpu.memref_squeeze %dma_wait3A_18 : memref<1x128xi32, #tpu.memory_space<hbm>> -> memref<128xi32, #tpu.memory_space<hbm>>
      %dma_wait3A_20 = arith.constant 0 : i32
      %dma_wait3A_21 = tpu.memref_slice %arg3[%arg1, %dma_wait3A_20] : memref<16x128xi32, #tpu.memory_space<hbm>> -> memref<1x128xi32, #tpu.memory_space<hbm>>
      %dma_wait3A_22 = tpu.memref_squeeze %dma_wait3A_21 : memref<1x128xi32, #tpu.memory_space<hbm>> -> memref<128xi32, #tpu.memory_space<hbm>>
      tpu.wait_dma2 semaphore(%run_scoped3A : memref<!tpu.dma_semaphore, #tpu.memory_space<semaphore_mem>>) src(%dma_wait3A_22 : memref<128xi32, #tpu.memory_space<hbm>>) dst(%arg6 : memref<128xi32, #tpu.memory_space<vmem>>)
      tpu.yield
    }) : () -> ()
    %iota3A = tpu.iota {dimensions = array<i32: 0>} : vector<16xi32>
    %broadcast_in_dim3A = arith.constant 0 : i32
    %broadcast_in_dim3A_0 = vector.broadcast %broadcast_in_dim3A : i32 to vector<16xi32>
    %swap3A = arith.constant 512 : index
    %swap3A_1 = tpu.vector_load %arg5[%swap3A] {strides = array<i32>} : memref<528xi32, #tpu.memory_space<vmem>>, vector<16xi32>,
    tpu.vector_store %arg5[%swap3A], %broadcast_in_dim3A_0 {strides = array<i32>} : memref<528xi32, #tpu.memory_space<vmem>>, vector<16xi32>,
    %broadcast_in_dim3A_2 = arith.constant 0.000000e+00 : f32
    %broadcast_in_dim3A_3 = vector.broadcast %broadcast_in_dim3A_2 : f32 to vector<16xf32>
    %swap3A_4 = arith.constant 0 : index
    %swap3A_5 = tpu.vector_load %arg7[%swap3A_4] {strides = array<i32>} : memref<528xf32, #tpu.memory_space<vmem>>, vector<16xf32>,
    tpu.vector_store %arg7[%swap3A_4], %broadcast_in_dim3A_3 {strides = array<i32>} : memref<528xf32, #tpu.memory_space<vmem>>, vector<16xf32>,
    %broadcast_in_dim3A_6 = arith.constant 0 : i32
    %broadcast_in_dim3A_7 = vector.broadcast %broadcast_in_dim3A_6 : i32 to vector<16xi32>
    %gather3A = tpu.vector_load_idx %arg6[%broadcast_in_dim3A_7] : memref<128xi32, #tpu.memory_space<vmem>>[vector<16xi32>], vector<16xi32>,
    %broadcast_in_dim3A_8 = arith.constant 127 : i32
    %broadcast_in_dim3A_9 = vector.broadcast %broadcast_in_dim3A_8 : i32 to vector<16xi32>
    %broadcast_in_dim3A_10 = arith.constant 0 : i32
    %broadcast_in_dim3A_11 = vector.broadcast %broadcast_in_dim3A_10 : i32 to vector<16xi32>
    %while3A = arith.constant 1 : i32
    %while3A_12:3 = scf.while (%while3A_13 = %while3A, %while3A_14 = %broadcast_in_dim3A_11, %while3A_15 = %gather3A) : (i32, vector<16xi32>, vector<16xi32>) -> (i32, vector<16xi32>, vector<16xi32>) {
      %lt3A = arith.constant 512 : i32
      %lt3A_16 = arith.cmpi slt, %while3A_13, %lt3A : i32
      scf.condition(%lt3A_16) %while3A_13, %while3A_14, %while3A_15 : i32, vector<16xi32>, vector<16xi32>
    } do {
    ^bb0(%while3A_13: i32, %while3A_14: vector<16xi32>, %while3A_15: vector<16xi32>):
      %get3A = arith.index_cast %while3A_13 : i32 to index
      %get3A_16 = tpu.vector_load %arg5[%get3A] {strides = array<i32>} : memref<528xi32, #tpu.memory_space<vmem>>, vector<16xi32>,
      %ne3A = arith.cmpi ne, %get3A_16, %while3A_15 : vector<16xi32>
      %all_reduce_ffs3A = tpu.all_reduce %ne3A {dim = 0 : i64, kind = #tpu.reduction_kind<find_first_set>} : vector<16xi1> -> vector<16xi32>
      %lt3A = arith.constant 16 : i32
      %lt3A_17 = vector.broadcast %lt3A : i32 to vector<16xi32>
      %lt3A_18 = arith.cmpi slt, %all_reduce_ffs3A, %lt3A_17 : vector<16xi32>
      %add3A = arith.constant 1 : i32
      %add3A_19 = vector.broadcast %add3A : i32 to vector<16xi32>
      %add3A_20 = arith.addi %while3A_14, %add3A_19 : vector<16xi32>
      %select_n3A = arith.select %lt3A_18, %add3A_20, %while3A_14 : vector<16xi1>, vector<16xi32>
      %min3A = arith.minsi %select_n3A, %broadcast_in_dim3A_9 : vector<16xi32>
      %gather3A_21 = tpu.vector_load_idx %arg6[%min3A] : memref<128xi32, #tpu.memory_space<vmem>>[vector<16xi32>], vector<16xi32>,
      %select_n3A_22 = arith.select %lt3A_18, %gather3A_21, %while3A_15 : vector<16xi1>, vector<16xi32>
      %min3A_23 = arith.minsi %while3A_14, %broadcast_in_dim3A_9 : vector<16xi32>
      %convert_element_type3A = arith.sitofp %min3A_23 : vector<16xi32> to vector<16xf32>
      %lt3A_24 = arith.cmpi slt, %iota3A, %all_reduce_ffs3A : vector<16xi32>
      %convert_element_type3A_25 = arith.sitofp %min3A : vector<16xi32> to vector<16xf32>
      %select_n3A_26 = arith.select %lt3A_24, %convert_element_type3A, %convert_element_type3A_25 : vector<16xi1>, vector<16xf32>
      %min3A_27 = arith.constant 15 : i32
      %min3A_28 = vector.broadcast %min3A_27 : i32 to vector<16xi32>
      %min3A_29 = arith.minsi %all_reduce_ffs3A, %min3A_28 : vector<16xi32>
      %add3A_30 = vector.broadcast %while3A_13 : i32 to vector<16xi32>
      %add3A_31 = arith.addi %add3A_30, %iota3A : vector<16xi32>
      %le3A = arith.cmpi sle, %iota3A, %min3A_29 : vector<16xi32>
      tpu.vector_store_idx %arg7[%add3A_31], %select_n3A_26 masked %le3A : memref<528xf32, #tpu.memory_space<vmem>>[vector<16xi32>], vector<16xf32>, vector<16xi1>
      %reduce_min3A = arith.constant true
      %reduce_min3A_32 = vector.broadcast %reduce_min3A : i1 to vector<16xi1>
      %reduce_min3A_33 = arith.constant -2147483648 : i32
      %reduce_min3A_34 = vector.broadcast %reduce_min3A_33 : i32 to vector<16xi32>
      %reduce_min3A_35 = arith.xori %min3A_29, %reduce_min3A_34 : vector<16xi32>
      %reduce_min3A_36 = tpu.scan <min>, %reduce_min3A_35 masked %reduce_min3A_32 : vector<16xi32>, vector<16xi1> -> vector<16xi32>
      %reduce_min3A_37 = arith.xori %reduce_min3A_36, %reduce_min3A_34 : vector<16xi32>
      %reduce_min3A_38 = vector.extract %reduce_min3A_37[15] : i32 from vector<16xi32>
      %add3A_39 = arith.addi %while3A_13, %reduce_min3A_38 : i32
      %add3A_40 = arith.constant 1 : i32
      %add3A_41 = arith.addi %add3A_39, %add3A_40 : i32
      scf.yield %add3A_41, %select_n3A, %select_n3A_22 : i32, vector<16xi32>, vector<16xi32>
    }
    "tpu.region"() ({
      %run_scoped3A = tpu.sem_alloc : memref<!tpu.dma_semaphore, #tpu.memory_space<semaphore_mem>>
      %dma_start3A = arith.constant 0 : i32
      %dma_start3A_13 = tpu.memref_slice %arg7[%dma_start3A] : memref<528xf32, #tpu.memory_space<vmem>> -> memref<512xf32, #tpu.memory_space<vmem>>
      %dma_start3A_14 = arith.constant 0 : i32
      %dma_start3A_15 = tpu.memref_slice %arg4[%arg1, %dma_start3A_14] : memref<16x512xf32, #tpu.memory_space<hbm>> -> memref<1x512xf32, #tpu.memory_space<hbm>>
      %dma_start3A_16 = tpu.memref_squeeze %dma_start3A_15 : memref<1x512xf32, #tpu.memory_space<hbm>> -> memref<512xf32, #tpu.memory_space<hbm>>
      %dma_start3A_17 = arith.constant 0 : i32
      %dma_start3A_18 = tpu.memref_slice %arg4[%arg1, %dma_start3A_17] : memref<16x512xf32, #tpu.memory_space<hbm>> -> memref<1x512xf32, #tpu.memory_space<hbm>>
      %dma_start3A_19 = tpu.memref_squeeze %dma_start3A_18 : memref<1x512xf32, #tpu.memory_space<hbm>> -> memref<512xf32, #tpu.memory_space<hbm>>
      %dma_start3A_20 = arith.constant 0 : i32
      %dma_start3A_21 = tpu.memref_slice %arg7[%dma_start3A_20] : memref<528xf32, #tpu.memory_space<vmem>> -> memref<512xf32, #tpu.memory_space<vmem>>
      tpu.enqueue_dma source(%dma_start3A_21 : memref<512xf32, #tpu.memory_space<vmem>>) target(%dma_start3A_19 : memref<512xf32, #tpu.memory_space<hbm>>) target_semaphore(%run_scoped3A : memref<!tpu.dma_semaphore, #tpu.memory_space<semaphore_mem>>)
      %dma_wait3A = arith.constant 0 : i32
      %dma_wait3A_22 = tpu.memref_slice %arg7[%dma_wait3A] : memref<528xf32, #tpu.memory_space<vmem>> -> memref<512xf32, #tpu.memory_space<vmem>>
      %dma_wait3A_23 = arith.constant 0 : i32
      %dma_wait3A_24 = tpu.memref_slice %arg4[%arg1, %dma_wait3A_23] : memref<16x512xf32, #tpu.memory_space<hbm>> -> memref<1x512xf32, #tpu.memory_space<hbm>>
      %dma_wait3A_25 = tpu.memref_squeeze %dma_wait3A_24 : memref<1x512xf32, #tpu.memory_space<hbm>> -> memref<512xf32, #tpu.memory_space<hbm>>
      %dma_wait3A_26 = arith.constant 0 : i32
      %dma_wait3A_27 = tpu.memref_slice %arg4[%arg1, %dma_wait3A_26] : memref<16x512xf32, #tpu.memory_space<hbm>> -> memref<1x512xf32, #tpu.memory_space<hbm>>
      %dma_wait3A_28 = tpu.memref_squeeze %dma_wait3A_27 : memref<1x512xf32, #tpu.memory_space<hbm>> -> memref<512xf32, #tpu.memory_space<hbm>>
      %dma_wait3A_29 = arith.constant 0 : i32
      %dma_wait3A_30 = tpu.memref_slice %arg7[%dma_wait3A_29] : memref<528xf32, #tpu.memory_space<vmem>> -> memref<512xf32, #tpu.memory_space<vmem>>
      tpu.wait_dma2 semaphore(%run_scoped3A : memref<!tpu.dma_semaphore, #tpu.memory_space<semaphore_mem>>) src(%dma_wait3A_30 : memref<512xf32, #tpu.memory_space<vmem>>) dst(%dma_wait3A_28 : memref<512xf32, #tpu.memory_space<hbm>>)
      tpu.yield
    }) : () -> ()
    return
  }
}

module attributes {stable_mosaic.version = 14 : i64} {
  func.func @_postnet_kernel(%arg0: i32, %arg1: memref<1x128x512xf32, #tpu.memory_space<vmem>>, %arg2: memref<16x512xf32, #tpu.memory_space<vmem>>, %arg3: memref<16x512xf32, #tpu.memory_space<vmem>>, %arg4: memref<16x512xi32, #tpu.memory_space<vmem>>, %arg5: memref<1x512xf32, #tpu.memory_space<vmem>>, %arg6: memref<1x512xf32, #tpu.memory_space<vmem>>, %arg7: memref<512x512xf32, #tpu.memory_space<vmem>>, %arg8: memref<1x512xf32, #tpu.memory_space<vmem>>, %arg9: memref<2x512xf32, #tpu.memory_space<vmem>>, %arg10: memref<512x512xbf16, #tpu.memory_space<vmem>>, %arg11: memref<1x512x512xf32, #tpu.memory_space<vmem>>, %arg12: memref<512x512xf32, #tpu.memory_space<vmem>>, %arg13: memref<512x16xf32, #tpu.memory_space<vmem>>, %arg14: memref<512x16xf32, #tpu.memory_space<vmem>>, %arg15: memref<512x16xf32, #tpu.memory_space<vmem>>, %arg16: memref<512x512xbf16, #tpu.memory_space<vmem>>) attributes {dimension_semantics = [#tpu.dimension_semantics<arbitrary>], iteration_bounds = array<i64: 16>, scalar_prefetch = 0 : i64, scratch_operands = 5 : i64, tpu.core_type = #tpu.core_type<tc>, window_params = [{transform_indices = @transform_0, window_bounds = array<i64: 1, 128, 512>}, {pipeline_mode = #tpu.pipeline_mode<synchronous>, transform_indices = @transform_1, window_bounds = array<i64: 16, 512>}, {pipeline_mode = #tpu.pipeline_mode<synchronous>, transform_indices = @transform_2, window_bounds = array<i64: 16, 512>}, {pipeline_mode = #tpu.pipeline_mode<synchronous>, transform_indices = @transform_3, window_bounds = array<i64: 16, 512>}, {pipeline_mode = #tpu.pipeline_mode<synchronous>, transform_indices = @transform_4, window_bounds = array<i64: 1, 512>}, {pipeline_mode = #tpu.pipeline_mode<synchronous>, transform_indices = @transform_5, window_bounds = array<i64: 1, 512>}, {pipeline_mode = #tpu.pipeline_mode<synchronous>, transform_indices = @transform_6, window_bounds = array<i64: 512, 512>}, {pipeline_mode = #tpu.pipeline_mode<synchronous>, transform_indices = @transform_7, window_bounds = array<i64: 1, 512>}, {pipeline_mode = #tpu.pipeline_mode<synchronous>, transform_indices = @transform_8, window_bounds = array<i64: 2, 512>}, {pipeline_mode = #tpu.pipeline_mode<synchronous>, transform_indices = @transform_9, window_bounds = array<i64: 512, 512>}, {transform_indices = @transform_10, window_bounds = array<i64: 1, 512, 512>}]} {
    %eq3A = arith.constant 0 : i32
    %eq3A_0 = arith.cmpi eq, %arg0, %eq3A : i32
    %convert_element_type3A = arith.extui %eq3A_0 : i1 to i32
    %cond3A = arith.constant 0 : i32
    %cond3A_1 = arith.cmpi ne, %convert_element_type3A, %cond3A : i32
    scf.if %cond3A_1 {
      %get3A_65 = arith.constant 0 : index
      %get3A_66 = arith.constant 0 : index
      %get3A_67 = vector.load %arg7[%get3A_65, %get3A_66] : memref<512x512xf32, #tpu.memory_space<vmem>>, vector<512x512xf32>
      %transpose3A = tpu.transpose %get3A_67, [1, 0] : vector<512x512xf32> -> vector<512x512xf32>
      %convert_element_type3A_68 = arith.truncf %transpose3A : vector<512x512xf32> to vector<512x512xbf16>
      %swap3A_69 = arith.constant 0 : index
      %swap3A_70 = arith.constant 0 : index
      %swap3A_71 = vector.load %arg16[%swap3A_69, %swap3A_70] : memref<512x512xbf16, #tpu.memory_space<vmem>>, vector<512x512xbf16>
      tpu.vector_store %arg16[%swap3A_69, %swap3A_70], %convert_element_type3A_68 {strides = array<i32>} : memref<512x512xbf16, #tpu.memory_space<vmem>>, vector<512x512xbf16>,
      %get3A_72 = arith.constant 0 : index
      %get3A_73 = arith.constant 0 : index
      %get3A_74 = vector.load %arg10[%get3A_72, %get3A_73] : memref<512x512xbf16, #tpu.memory_space<vmem>>, vector<512x512xbf16>
      %get3A_75 = arith.constant 0 : index
      %get3A_76 = arith.constant 0 : index
      %get3A_77 = vector.load %arg16[%get3A_75, %get3A_76] : memref<512x512xbf16, #tpu.memory_space<vmem>>, vector<512x512xbf16>
      %dot_general3A_78 = arith.constant dense<0.000000e+00> : vector<512x512xf32>
      %dot_general3A_79 = tpu.matmul %get3A_74, %get3A_77, %dot_general3A_78 {dimension_numbers = #tpu.dot_dimension_numbers<[1], [0], [0], [1], [0, 0, 1, 1], [], []>, transpose_lhs_hint = false} : vector<512x512xbf16>, vector<512x512xbf16>, vector<512x512xf32> -> vector<512x512xf32>
      %get3A_80 = arith.constant 0 : index
      %get3A_81 = arith.constant 0 : index
      %get3A_82 = vector.load %arg8[%get3A_80, %get3A_81] : memref<1x512xf32, #tpu.memory_space<vmem>>, vector<1x512xf32>
      %add3A_83 = vector.broadcast %get3A_82 : vector<1x512xf32> to vector<512x512xf32>
      %add3A_84 = arith.addf %dot_general3A_79, %add3A_83 : vector<512x512xf32>
      %get3A_85 = arith.constant 0 : index
      %get3A_86 = arith.constant 0 : index
      %get3A_87 = vector.load %arg6[%get3A_85, %get3A_86] : memref<1x512xf32, #tpu.memory_space<vmem>>, vector<1x512xf32>
      %add3A_88 = vector.broadcast %get3A_87 : vector<1x512xf32> to vector<512x512xf32>
      %add3A_89 = arith.addf %add3A_84, %add3A_88 : vector<512x512xf32>
      %get3A_90 = arith.constant 0 : index
      %get3A_91 = arith.constant 0 : index
      %get3A_92 = vector.load %arg9[%get3A_90, %get3A_91] : memref<2x512xf32, #tpu.memory_space<vmem>>, vector<1x512xf32>
      %add3A_93 = vector.broadcast %get3A_92 : vector<1x512xf32> to vector<512x512xf32>
      %add3A_94 = arith.addf %add3A_89, %add3A_93 : vector<512x512xf32>
      %swap3A_95 = arith.constant 0 : index
      %swap3A_96 = arith.constant 0 : index
      %swap3A_97 = vector.load %arg12[%swap3A_95, %swap3A_96] : memref<512x512xf32, #tpu.memory_space<vmem>>, vector<512x512xf32>
      tpu.vector_store %arg12[%swap3A_95, %swap3A_96], %add3A_94 {strides = array<i32>} : memref<512x512xf32, #tpu.memory_space<vmem>>, vector<512x512xf32>,
      %get3A_98 = arith.constant 0 : index
      %get3A_99 = arith.constant 0 : index
      %get3A_100 = vector.load %arg2[%get3A_98, %get3A_99] : memref<16x512xf32, #tpu.memory_space<vmem>>, vector<16x512xf32>
      %transpose3A_101 = tpu.transpose %get3A_100, [1, 0] : vector<16x512xf32> -> vector<512x16xf32>
      %swap3A_102 = arith.constant 0 : index
      %swap3A_103 = arith.constant 0 : index
      %swap3A_104 = vector.load %arg13[%swap3A_102, %swap3A_103] : memref<512x16xf32, #tpu.memory_space<vmem>>, vector<512x16xf32>
      tpu.vector_store %arg13[%swap3A_102, %swap3A_103], %transpose3A_101 {strides = array<i32>} : memref<512x16xf32, #tpu.memory_space<vmem>>, vector<512x16xf32>,
      %get3A_105 = arith.constant 0 : index
      %get3A_106 = arith.constant 0 : index
      %get3A_107 = vector.load %arg3[%get3A_105, %get3A_106] : memref<16x512xf32, #tpu.memory_space<vmem>>, vector<16x512xf32>
      %transpose3A_108 = tpu.transpose %get3A_107, [1, 0] : vector<16x512xf32> -> vector<512x16xf32>
      %swap3A_109 = arith.constant 0 : index
      %swap3A_110 = arith.constant 0 : index
      %swap3A_111 = vector.load %arg14[%swap3A_109, %swap3A_110] : memref<512x16xf32, #tpu.memory_space<vmem>>, vector<512x16xf32>
      tpu.vector_store %arg14[%swap3A_109, %swap3A_110], %transpose3A_108 {strides = array<i32>} : memref<512x16xf32, #tpu.memory_space<vmem>>, vector<512x16xf32>,
      %get3A_112 = arith.constant 0 : index
      %get3A_113 = arith.constant 0 : index
      %get3A_114 = vector.load %arg4[%get3A_112, %get3A_113] : memref<16x512xi32, #tpu.memory_space<vmem>>, vector<16x512xi32>
      %convert_element_type3A_115 = arith.sitofp %get3A_114 : vector<16x512xi32> to vector<16x512xf32>
      %transpose3A_116 = tpu.transpose %convert_element_type3A_115, [1, 0] : vector<16x512xf32> -> vector<512x16xf32>
      %swap3A_117 = arith.constant 0 : index
      %swap3A_118 = arith.constant 0 : index
      %swap3A_119 = vector.load %arg15[%swap3A_117, %swap3A_118] : memref<512x16xf32, #tpu.memory_space<vmem>>, vector<512x16xf32>
      tpu.vector_store %arg15[%swap3A_117, %swap3A_118], %transpose3A_116 {strides = array<i32>} : memref<512x16xf32, #tpu.memory_space<vmem>>, vector<512x16xf32>,
    } else {
    }
    %iota3A = tpu.iota {dimensions = array<i32: 0>} : vector<16x1xi32>
    %eq3A_2 = vector.broadcast %arg0 : i32 to vector<16x1xi32>
    %eq3A_3 = arith.cmpi eq, %iota3A, %eq3A_2 : vector<16x1xi32>
    %convert_element_type3A_4 = arith.extui %eq3A_3 : vector<16x1xi1> to vector<16x1xi32>
    %convert_element_type3A_5 = arith.sitofp %convert_element_type3A_4 : vector<16x1xi32> to vector<16x1xf32>
    %get3A = arith.constant 0 : index
    %get3A_6 = arith.constant 0 : index
    %get3A_7 = vector.load %arg13[%get3A, %get3A_6] : memref<512x16xf32, #tpu.memory_space<vmem>>, vector<512x16xf32>
    %dot_general3A = arith.constant dense<0.000000e+00> : vector<512x1xf32>
    %dot_general3A_8 = tpu.matmul %get3A_7, %convert_element_type3A_5, %dot_general3A {dimension_numbers = #tpu.dot_dimension_numbers<[1], [0], [0], [1], [0, 0, 1, 1], [], []>, transpose_lhs_hint = false} : vector<512x16xf32>, vector<16x1xf32>, vector<512x1xf32> -> vector<512x1xf32>
    %get3A_9 = arith.constant 0 : index
    %get3A_10 = arith.constant 0 : index
    %get3A_11 = vector.load %arg14[%get3A_9, %get3A_10] : memref<512x16xf32, #tpu.memory_space<vmem>>, vector<512x16xf32>
    %dot_general3A_12 = arith.constant dense<0.000000e+00> : vector<512x1xf32>
    %dot_general3A_13 = tpu.matmul %get3A_11, %convert_element_type3A_5, %dot_general3A_12 {dimension_numbers = #tpu.dot_dimension_numbers<[1], [0], [0], [1], [0, 0, 1, 1], [], []>, transpose_lhs_hint = false} : vector<512x16xf32>, vector<16x1xf32>, vector<512x1xf32> -> vector<512x1xf32>
    %get3A_14 = arith.constant 0 : index
    %get3A_15 = arith.constant 0 : index
    %get3A_16 = vector.load %arg15[%get3A_14, %get3A_15] : memref<512x16xf32, #tpu.memory_space<vmem>>, vector<512x16xf32>
    %dot_general3A_17 = arith.constant dense<0.000000e+00> : vector<512x1xf32>
    %dot_general3A_18 = tpu.matmul %get3A_16, %convert_element_type3A_5, %dot_general3A_17 {dimension_numbers = #tpu.dot_dimension_numbers<[1], [0], [0], [1], [0, 0, 1, 1], [], []>, transpose_lhs_hint = false} : vector<512x16xf32>, vector<16x1xf32>, vector<512x1xf32> -> vector<512x1xf32>
    %get3A_19 = arith.constant 0 : index
    %get3A_20 = arith.constant 0 : index
    %get3A_21 = arith.constant 0 : index
    %get3A_22 = vector.load %arg1[%get3A_19, %get3A_20, %get3A_21] : memref<1x128x512xf32, #tpu.memory_space<vmem>>, vector<1x128x512xf32>
    %get3A_23 = vector.shape_cast %get3A_22 : vector<1x128x512xf32> to vector<128x512xf32>
    %convert_element_type3A_24 = arith.truncf %get3A_23 : vector<128x512xf32> to vector<128x512xbf16>
    %get3A_25 = arith.constant 0 : index
    %get3A_26 = arith.constant 0 : index
    %get3A_27 = vector.load %arg16[%get3A_25, %get3A_26] : memref<512x512xbf16, #tpu.memory_space<vmem>>, vector<512x512xbf16>
    %dot_general3A_28 = arith.constant dense<0.000000e+00> : vector<128x512xf32>
    %dot_general3A_29 = tpu.matmul %convert_element_type3A_24, %get3A_27, %dot_general3A_28 {dimension_numbers = #tpu.dot_dimension_numbers<[1], [0], [0], [1], [0, 0, 1, 1], [], []>, transpose_lhs_hint = false} : vector<128x512xbf16>, vector<512x512xbf16>, vector<128x512xf32> -> vector<128x512xf32>
    %add3A = arith.addf %get3A_23, %dot_general3A_29 : vector<128x512xf32>
    %iota3A_30 = tpu.iota {dimensions = array<i32: 1>} : vector<512x128xi32>
    %convert_element_type3A_31 = arith.fptosi %dot_general3A_8 : vector<512x1xf32> to vector<512x1xi32>
    %eq3A_32 = vector.broadcast %convert_element_type3A_31 : vector<512x1xi32> to vector<512x128xi32>
    %eq3A_33 = arith.cmpi eq, %iota3A_30, %eq3A_32 : vector<512x128xi32>
    %convert_element_type3A_34 = arith.extui %eq3A_33 : vector<512x128xi1> to vector<512x128xi32>
    %convert_element_type3A_35 = arith.sitofp %convert_element_type3A_34 : vector<512x128xi32> to vector<512x128xf32>
    %convert_element_type3A_36 = arith.truncf %convert_element_type3A_35 : vector<512x128xf32> to vector<512x128xbf16>
    %convert_element_type3A_37 = arith.truncf %add3A : vector<128x512xf32> to vector<128x512xbf16>
    %dot_general3A_38 = arith.constant dense<0.000000e+00> : vector<512x512xf32>
    %dot_general3A_39 = tpu.matmul %convert_element_type3A_36, %convert_element_type3A_37, %dot_general3A_38 {dimension_numbers = #tpu.dot_dimension_numbers<[1], [0], [0], [1], [0, 0, 1, 1], [], []>, transpose_lhs_hint = false} : vector<512x128xbf16>, vector<128x512xbf16>, vector<512x512xf32> -> vector<512x512xf32>
    %get3A_40 = arith.constant 1 : index
    %get3A_41 = arith.constant 0 : index
    %get3A_42 = vector.load %arg9[%get3A_40, %get3A_41] : memref<2x512xf32, #tpu.memory_space<vmem>>, vector<1x512xf32>
    %get3A_43 = arith.constant 0 : index
    %get3A_44 = arith.constant 0 : index
    %get3A_45 = vector.load %arg9[%get3A_43, %get3A_44] : memref<2x512xf32, #tpu.memory_space<vmem>>, vector<1x512xf32>
    %sub3A = arith.subf %get3A_42, %get3A_45 : vector<1x512xf32>
    %get3A_46 = arith.constant 0 : index
    %get3A_47 = arith.constant 0 : index
    %get3A_48 = vector.load %arg5[%get3A_46, %get3A_47] : memref<1x512xf32, #tpu.memory_space<vmem>>, vector<1x512xf32>
    %mul3A = vector.broadcast %dot_general3A_13 : vector<512x1xf32> to vector<512x512xf32>
    %mul3A_49 = vector.broadcast %get3A_48 : vector<1x512xf32> to vector<512x512xf32>
    %mul3A_50 = arith.mulf %mul3A, %mul3A_49 : vector<512x512xf32>
    %add3A_51 = arith.addf %dot_general3A_39, %mul3A_50 : vector<512x512xf32>
    %mul3A_52 = vector.broadcast %dot_general3A_18 : vector<512x1xf32> to vector<512x512xf32>
    %mul3A_53 = vector.broadcast %sub3A : vector<1x512xf32> to vector<512x512xf32>
    %mul3A_54 = arith.mulf %mul3A_52, %mul3A_53 : vector<512x512xf32>
    %add3A_55 = arith.addf %add3A_51, %mul3A_54 : vector<512x512xf32>
    %get3A_56 = arith.constant 0 : index
    %get3A_57 = arith.constant 0 : index
    %get3A_58 = vector.load %arg12[%get3A_56, %get3A_57] : memref<512x512xf32, #tpu.memory_space<vmem>>, vector<512x512xf32>
    %add3A_59 = arith.addf %add3A_55, %get3A_58 : vector<512x512xf32>
    %swap3A = arith.constant 0 : index
    %swap3A_60 = arith.constant 0 : index
    %swap3A_61 = arith.constant 0 : index
    %swap3A_62 = vector.load %arg11[%swap3A, %swap3A_60, %swap3A_61] : memref<1x512x512xf32, #tpu.memory_space<vmem>>, vector<1x512x512xf32>
    %swap3A_63 = vector.shape_cast %swap3A_62 : vector<1x512x512xf32> to vector<512x512xf32>
    %swap3A_64 = vector.shape_cast %add3A_59 : vector<512x512xf32> to vector<1x512x512xf32>
    tpu.vector_store %arg11[%swap3A, %swap3A_60, %swap3A_61], %swap3A_64 {strides = array<i32>} : memref<1x512x512xf32, #tpu.memory_space<vmem>>, vector<1x512x512xf32>,
    return
  }
  func.func @transform_0(%arg0: i32) -> (i32, i32, i32) {
    %c0_i32 = arith.constant 0 : i32
    %c0_i32_0 = arith.constant 0 : i32
    %c0_i32_1 = arith.constant 0 : i32
    return %arg0, %c0_i32, %c0_i32_0 : i32, i32, i32
  }
  func.func @transform_1(%arg0: i32) -> (i32, i32) {
    %c0_i32 = arith.constant 0 : i32
    %c0_i32_0 = arith.constant 0 : i32
    %c0_i32_1 = arith.constant 0 : i32
    return %c0_i32, %c0_i32_0 : i32, i32
  }
  func.func @transform_2(%arg0: i32) -> (i32, i32) {
    %c0_i32 = arith.constant 0 : i32
    %c0_i32_0 = arith.constant 0 : i32
    %c0_i32_1 = arith.constant 0 : i32
    return %c0_i32, %c0_i32_0 : i32, i32
  }
  func.func @transform_3(%arg0: i32) -> (i32, i32) {
    %c0_i32 = arith.constant 0 : i32
    %c0_i32_0 = arith.constant 0 : i32
    %c0_i32_1 = arith.constant 0 : i32
    return %c0_i32, %c0_i32_0 : i32, i32
  }
  func.func @transform_4(%arg0: i32) -> (i32, i32) {
    %c0_i32 = arith.constant 0 : i32
    %c0_i32_0 = arith.constant 0 : i32
    %c0_i32_1 = arith.constant 0 : i32
    return %c0_i32, %c0_i32_0 : i32, i32
  }
  func.func @transform_5(%arg0: i32) -> (i32, i32) {
    %c0_i32 = arith.constant 0 : i32
    %c0_i32_0 = arith.constant 0 : i32
    %c0_i32_1 = arith.constant 0 : i32
    return %c0_i32, %c0_i32_0 : i32, i32
  }
  func.func @transform_6(%arg0: i32) -> (i32, i32) {
    %c0_i32 = arith.constant 0 : i32
    %c0_i32_0 = arith.constant 0 : i32
    %c0_i32_1 = arith.constant 0 : i32
    return %c0_i32, %c0_i32_0 : i32, i32
  }
  func.func @transform_7(%arg0: i32) -> (i32, i32) {
    %c0_i32 = arith.constant 0 : i32
    %c0_i32_0 = arith.constant 0 : i32
    %c0_i32_1 = arith.constant 0 : i32
    return %c0_i32, %c0_i32_0 : i32, i32
  }
  func.func @transform_8(%arg0: i32) -> (i32, i32) {
    %c0_i32 = arith.constant 0 : i32
    %c0_i32_0 = arith.constant 0 : i32
    %c0_i32_1 = arith.constant 0 : i32
    return %c0_i32, %c0_i32_0 : i32, i32
  }
  func.func @transform_9(%arg0: i32) -> (i32, i32) {
    %c0_i32 = arith.constant 0 : i32
    %c0_i32_0 = arith.constant 0 : i32
    %c0_i32_1 = arith.constant 0 : i32
    return %c0_i32, %c0_i32_0 : i32, i32
  }
  func.func @transform_10(%arg0: i32) -> (i32, i32, i32) {
    %c0_i32 = arith.constant 0 : i32
    %c0_i32_0 = arith.constant 0 : i32
    %c0_i32_1 = arith.constant 0 : i32
    return %arg0, %c0_i32, %c0_i32_0 : i32, i32, i32
  }
}

</mosaic_0001>

<sc_bundles>
// kernel: kernel.4.cloned.1.call-start
scs
__scs_entry_jumppad:
0x0: {  	(pc) =	sbr.rel $0x88, $3  }
0x1: {  	(tag) =	ssettag $0x0;
	lr =	simm.s32 $0x1  }
0x2: {  	[smem:$0x3F97] =	sst lr;
	_ =	strace $0xD0000000  }
0x3: {  	_ = 	snop  }
0x4: {  	_ = 	snop  }
0x5: {  	_ = 	snop  }
0x6: {  	_ = 	snop  }
0x7: {  	_ = 	snop  }
__scs_overlays_trampoline_lowered:
0x8: {  	[smem:$0x3FA6] =	sst s0  }
0x9: {  	[smem:$0x3FA7] =	sst s1  }
0xa: {  	[smem:$0x3FA8] =	sst s2  }
0xb: {  	[smem:$0x3FA9] =	sst s3  }
0xc: {  	[smem:$0x3FAA] =	sst s4  }
0xd: {  	[smem:$0x3FAB] =	sst s5  }
0xe: {  	[smem:$0x3FAC] =	sst s6  }
0xf: {  	[smem:$0x3FAD] =	sst s7  }
0x10: {  	[smem:$0x3FAE] =	sst s8  }
0x11: {  	[smem:$0x3FAF] =	sst s9;
	s0 =	simm.s32 @!p0 $0x0  }
0x12: {  	s1 =	sld [smem:$0x3F95];
	s0 =	simm.s32 @p0 $0x1  }
0x13: {  	[smem:$0x3FB0] =	sst s0;
	s0 =	simm.s32 @!p1 $0x0  }
0x14: {  	s2 =	sld [smem:$0x3F94];
	s0 =	simm.s32 @p1 $0x1  }
0x15: {  	[smem:$0x3FB1] =	sst s0;
	s0 =	simm.s32 @!p2 $0x0  }
0x16: {  	s3 =	sld [smem:$0x3FDB];
	s0 =	simm.s32 @p2 $0x1  }
0x17: {  	s4 =	simm.s32 $0x1BF5;
	[smem:$0x3FB3] =	sst s0  }
0x18: {  	s0 =	sld [smem:$0x3F96];
	_ =	swait.ge [sflag:s4], $0x0  }
0x19: {  	s7 =	sld [smem:$0x3F97]  }
0x1a: {  	s8 =	sadd.s32 $0xFFFFE003, lr  }
0x1b: {  	s9 =	sadd.s32 $0xFFFFFEF7, lr;
	s5 =	simm.s32 $0xFFFFFFFF;
	p2 =	slt.u32 s8, $0xFFFFF086  }
0x1c: {  	p1 =	slt.u32 s9, $0xF7A;
	s5 =	simm.s32 @!p2 $0x0  }
0x1d: {  	s5 =	simm.s32 @p1 $0x1;
	p0 =	seq.s32 s7, s2  }
0x1e: {  	s7 =	smul.u32 @!p0 $0xF7A, s2;
	p2 =	seq.s32 @!p0 s5, $0x0  }
0x1f: {  	s9 =	smul.u32 $0xF7A, s1;
	s8 =	simm.s32 @!p0 $0x1BF5;
	p2 =	por !p2, p0  }
0x20: {  	[sflag:s8] =	ssyncset.s32 @!p0 $0xFFFFF086;
	s6 =	sadd.s32 @!p0 s3, s7;
	s7 =	simm.s32 @!p0 $0x108  }
0x21: {  	s3 =	sadd.s32 s3, s9;
	s6 =	sadd.s32 @!p0 $0x88, s6;
	s7 =	simm.s32 @p2 $0x1082  }
0x22: {  	[simem:s7], [sflag:s8] =	dma.local @!p0 [hbm:s6], $0xF7A  }
0x23: {  	s9 =	sor.u32 $0xD0000000, s2;
	s6 =	simm.s32 $0x108;
	_ =	swait.ge @!p0 [sflag:s8], $0x0  }
0x24: {  	s3 =	sadd.s32 $0x88, s3;
	s6 =	simm.s32 @!p1 $0x1082;
	[sflag:s4] =	ssyncset.s32 $0xFFFFF086  }
0x25: {  	[simem:s6], [sflag:s4] =	dma.local [hbm:s3], $0xF7A  }
0x26: {  	[smem:$0x3F97] =	sst s1;
	(tag) =	ssettag s2;
	_ =	strace s9  }
0x27: {  	s1 =	sld [smem:$0x3FA7]  }
0x28: {  	s2 =	sld [smem:$0x3FA8]  }
0x29: {  	s4 =	sld [smem:$0x3FAA]  }
0x2a: {  	p0 =	seq.s32 s5, $0x0;
	s5 =	sld [smem:$0x3FAB]  }
0x2b: {  	s6 =	sld [smem:$0x3FAC]  }
0x2c: {  	s7 =	sld [smem:$0x3FAD]  }
0x2d: {  	s3 =	simm.s32 $0x108;
	s8 =	sld [smem:$0x3FAE]  }
0x2e: {  	s3 =	simm.s32 @!p0 $0x1082;
	s9 =	sld [smem:$0x3FAF]  }
0x2f: {  	lr =	sadd.s32 s0, s3;
	s0 =	sld [smem:$0x3FA6]  }
0x30: {  	s3 =	sld [smem:$0x3FA9]  }
0x31: {  	[smem:$0x3FB2] =	sst s10  }
0x32: {  	s10 =	sld [smem:$0x3FB0];
	_ =	sdelay $0x3  }
0x33: {  	p0 =	seq.s32 s10, $0x1;
	s10 =	sld [smem:$0x3FB2];
	_ =	sdelay $0x3  }
0x34: {  	[smem:$0x3FB2] =	sst s10  }
0x35: {  	s10 =	sld [smem:$0x3FB1];
	_ =	sdelay $0x3  }
0x36: {  	p1 =	seq.s32 s10, $0x1;
	s10 =	sld [smem:$0x3FB2];
	_ =	sdelay $0x3  }
0x37: {  	[smem:$0x3FB2] =	sst s10  }
0x38: {  	s10 =	sld [smem:$0x3FB3]  }
0x39: {  	_ = 	snop;
	(pc) =	sbr.ind lr, $3  }
0x3a: {  	_ = 	snop  }
0x3b: {  	_ = 	snop  }
0x3c: {  	p2 =	seq.s32 s10, $0x1;
	s10 =	sld [smem:$0x3FB2]  }
0x3d: {  	_ =	shalt  }
0x3e: {  	_ =	shalt  }
0x3f: {  	_ =	shalt  }
0x40: {  	_ =	shalt  }
0x41: {  	_ =	shalt  }
0x42: {  	_ =	shalt  }
0x43: {  	_ =	shalt  }
0x44: {  	_ =	shalt  }
0x45: {  	_ =	shalt  }
0x46: {  	_ =	shalt  }
0x47: {  	_ =	shalt  }
0x48: {  	_ =	shalt  }
0x49: {  	_ =	shalt  }
0x4a: {  	_ =	shalt  }
0x4b: {  	_ =	shalt  }
0x4c: {  	_ =	shalt  }
0x4d: {  	_ =	shalt  }
0x4e: {  	_ =	shalt  }
0x4f: {  	_ =	shalt  }
0x50: {  	_ =	shalt  }
0x51: {  	_ =	shalt  }
0x52: {  	_ =	shalt  }
0x53: {  	_ =	shalt  }
0x54: {  	_ =	shalt  }
0x55: {  	_ =	shalt  }
0x56: {  	_ =	shalt  }
0x57: {  	_ =	shalt  }
0x58: {  	_ =	shalt  }
0x59: {  	_ =	shalt  }
0x5a: {  	_ =	shalt  }
0x5b: {  	_ =	shalt  }
0x5c: {  	_ =	shalt  }
0x5d: {  	_ =	shalt  }
0x5e: {  	_ =	shalt  }
0x5f: {  	_ =	shalt  }
0x60: {  	_ =	shalt  }
0x61: {  	_ =	shalt  }
0x62: {  	_ =	shalt  }
0x63: {  	_ =	shalt  }
0x64: {  	_ =	shalt  }
0x65: {  	_ =	shalt  }
0x66: {  	_ =	shalt  }
0x67: {  	_ =	shalt  }
0x68: {  	_ =	shalt  }
0x69: {  	_ =	shalt  }
0x6a: {  	_ =	shalt  }
0x6b: {  	_ =	shalt  }
0x6c: {  	_ =	shalt  }
0x6d: {  	_ =	shalt  }
0x6e: {  	_ =	shalt  }
0x6f: {  	_ =	shalt  }
0x70: {  	_ =	shalt  }
0x71: {  	_ =	shalt  }
0x72: {  	_ =	shalt  }
0x73: {  	_ =	shalt  }
0x74: {  	_ =	shalt  }
0x75: {  	_ =	shalt  }
0x76: {  	_ =	shalt  }
0x77: {  	_ =	shalt  }
0x78: {  	_ =	shalt  }
0x79: {  	_ =	shalt  }
0x7a: {  	_ =	shalt  }
0x7b: {  	_ =	shalt  }
0x7c: {  	_ =	shalt  }
0x7d: {  	_ =	shalt  }
0x7e: {  	_ =	shalt  }
0x7f: {  	_ =	shalt  }
0x80: {  	_ =	shalt  }
0x81: {  	_ =	shalt  }
0x82: {  	_ =	shalt  }
0x83: {  	_ =	shalt  }
0x84: {  	_ =	shalt  }
0x85: {  	_ =	shalt  }
0x86: {  	_ =	shalt  }
0x87: {  	_ =	shalt  }
.Lfunc_end0:
.L_simem_size_0:
called_computation_lowered:
.L_overlay_start_0:
0x88: {  	s0 =	sld [smem:$0x3FD9]  }
0x89: {  	s1 =	sld [smem:$0x3FFE];
	_ =	sdelay $0x3  }
0x8a: {  	s0 =	sadd.s32 s1, s0  }
0x8b: {  	[smem:$0x3FBE] =	sst s0  }
0x8c: {  	_ = 	snop  }
0x8d: {  	s0 =	sld [smem:$0x3FC8]  }
0x8e: {  	s17 =	sld [smem:$0x3FC7]  }
0x8f: {  	s2 =	sld [smem:$0x3FD0];
	(tm) =	ssettm $0x1  }
0x90: {  	s3 =	sld [smem:$0x3FFB];
	_ =	sdelay $0x3  }
0x91: {  	_ =	strace s3  }
0x92: {  	s3 =	sld [smem:$0x3FFC];
	_ =	sdelay $0x3  }
0x93: {  	_ =	strace s3  }
0x94: {  	s3 =	sld [smem:$0x3FFD];
	_ =	sdelay $0x3  }
0x95: {  	_ =	strace s3  }
0x96: {  	_ =	strace $0x8FFFFFFF  }
0x97: {  	s18 =	sld [smem:$0x3FDB];
	_ =	sdelay $0x1  }
0x98: {  	s4 =	simm.s32 $_scs_section_size  }
0x99: {  	s5 =	simm.s32 $_size__tile_overlayer_lowered;
	s6 =	simm.s32 $_tile_overlayer_lowered  }
0x9a: {  	s21 =	simm.s32 $0x1BFF;
	s20 =	sshll.u32 s6, $0x1;
	s3 =	sadd.s32 s4, s18  }
0x9b: {  	s7 =	simm.s32 $0x0;
	s19 =	sshll.u32 s5, $0x1;
	s5 =	sadd.s32 s20, s3  }
0x9c: {  	[timem:s7], [sflag:s21] =	dma.local [hbm:s5], s19  }
0x9d: {  	_ =	swait.ge [sflag:s21], s19  }
0x9e: {  	s4 =	ssub.s32 $0x0, s19;
	[sflag:s21] =	ssyncset.done $0x0  }
0x9f: {  	[sflag:s21] =	ssyncadd.s32 s4;
	_ =	sdelay $0x1  }
0xa0: {  	s22 =	simm.s32 $0x1B8B  }
0xa1: {  	_ =	swait.ge [sflag:s22], $0x1  }
0xa2: {  	[sflag:s22] =	ssyncset.done $0x0  }
0xa3: {  	s23 =	simm.s32 $0x1B8E;
	[sflag:s22] =	ssyncadd.s32 $0xFFFFFFFF  }
0xa4: {  	s24 =	simm.s32 $execute0_lowered;
	[smem:$0x3FD2] =	sst s23  }
0xa5: {  	s4 =	sshll.u32 s24, $0x1;
	_ =	strace $0x80000046;
	[dreg:$0x1] =	wrdreg $0xFFFFFFFF  }
0xa6: {  	s25 =	simm.s32 $_size_execute0_lowered;
	s3 =	sadd.s32 s3, s4;
	[dreg:$0x0] =	wrdreg $0x0  }
0xa7: {  	s4 =	sshll.u32 s25, $0x1;
	[dreg:$0x2] =	wrdreg s3  }
0xa8: {  	[dreg:$0x3] =	wrdreg s4  }
0xa9: {  	[dreg:$0x4] =	wrdreg $0xC0  }
0xaa: {  	_ =	task [dreg:s7], $0x5FFFF  }
0xab: {  	[dreg:$0x1] =	wrdreg $0xFFFFFFFF  }
0xac: {  	[dreg:$0x0] =	wrdreg $0x60  }
0xad: {  	[dreg:$0x2] =	wrdreg s0  }
0xae: {  	[dreg:$0x3] =	wrdreg s17  }
0xaf: {  	[dreg:$0x4] =	wrdreg s2  }
0xb0: {  	[dreg:$0x5] =	wrdreg $0x9  }
0xb1: {  	_ =	task.clear_ibuf [dreg:s7], $0x6FFFF;
	_ =	strace $0x90000046  }
0xb2: {  	s26 =	simm.s32 $0x9;
	_ =	strace $0x80000048  }
0xb3: {  	_ =	swait.ge [sflag:s26], $0x1  }
0xb4: {  	[sflag:s26] =	ssyncadd.s32 $0xFFFFFFFF  }
0xb5: {  	_ =	strace $0x90000048  }
0xb6: {  	_ =	sfence  }
0xb7: {  	s28 =	sld [smem:$0x0];
	_ =	sdelay $0x1  }
0xb8: {  	s29 =	srdreg.scid  }
0xb9: {  	s30 =	sshll.u32 s29, $0xD;
	s31 =	sshrl.u32 s29, $0x2  }
0xba: {  	s1 =	sand.u32 $0x1, s29;
	s2 =	sand.u32 $0x4000, s30;
	s0 =	sadd.s32 s31, s28  }
0xbb: {  	s1 =	sor.u32 s2, s1;
	s0 =	sshll.u32 s0, $0x11  }
0xbc: {  	s0 =	sor.u32 s0, s1  }
0xbd: {  	s0 =	sadd.s32 $0x8F2B, s0  }
0xbe: {  	[sflag:s0] =	ssyncadd.remote.s32 $0x1  }
0xbf: {  	_ =	sfence.sel $0xFFFF  }
0xc0: {  	[dreg:$0x0] =	wrdreg $0xFFFFFFFF;
	(pc) =	sbr.abs _section_cstart, $3  }
0xc1: {  	[dreg:$0x1] =	wrdreg $0xFFFFFFFF  }
0xc2: {  	_ =	task.clear_ibuf [dreg:s7], $0x2FFFF;
	_ =	strace $0x9FFFFFFF  }
0xc3: {  	(tm) =	ssettm $0x7FFFFFFF  }
tec
execute0_lowered:
.L_overlay_start_1:
0x0: {  	(tag) =	ssettag $0x1  }
0x1: {  	s4 =	rddreg [dreg:$0x0];
	s1 =	stileid.u32  }
0x2: {  	s5 =	rddreg [dreg:$0x1];
	s6 =	sshrl.u32 s1, $0x3;
	s3 =	sshll.u32 s1, $0x7  }
0x3: {  	s2 =	rddreg [dreg:$0x2];
	s8 =	sshll.u32 s6, $0xC;
	s9 =	sand.u32 $0x380, s3  }
0x4: {  	s0 =	rddreg [dreg:$0x3];
	s7 =	simm.s32 $0x0;
	s3 =	sor.u32 s9, s8  }
0x5: {  	s31 =	simm.s32 $0x80;
	[smem:$0x7FF] =	sst s7;
	s3 =	sshrl.u32 s3, $0x3  }
0x6: {  	s10 =	simm.s32 $0x400;
	_ =	strace $0x80000047;
	s4 =	sadd.s32 s4, s3  }
0x7: {  	[tilespmem:s7], [sflag:$0x1] =	stream.strided.gather [hbm4b:s4+s31], $0x200, s10, s31, $0x38;
	[tilespmem:$0x580] =	vst v63  }
0x8: {  	s6 =	sshll.u32 s6, $0xA;
	s4 =	simm.s32 $0x1  }
0x9: {  	s6 =	sor.u32 s9, s6;
	_ =	swait.ge [sflag:s4], $0x200  }
0xa: {  	s6 =	sshrl.u32 s6, $0x3;
	[sflag:s4] =	ssyncset.done $0x0  }
0xb: {  	s6 =	sadd.s32 s5, s6;
	s5 =	simm.s32 $0x280;
	[sflag:s4] =	ssyncadd.s32 $0xFFFFFE00  }
0xc: {  	[tilespmem:s5], [sflag:$0x1] =	stream.linear.gather [hbm4b:s6+s7], $0x80, $0x38;
	[tilespmem:$0x580] =	vst v63  }
0xd: {  	_ =	swait.ge [sflag:s4], $0x80  }
0xe: {  	[sflag:s4] =	ssyncset.done $0x0  }
0xf: {  	v0 =	vimm.s32 $0x0;
	[sflag:s4] =	ssyncadd.s32 $0xFFFFFF80  }
0x10: {  	v1 =	vimm.f32 $0.0e+00;
	[tilespmem:$0x200] =	vst v0  }
0x11: {  	[tilespmem:$0x300] =	vst v1;
	v1 =	vlaneseq.u32  }
0x12: {  	v4 =	vimm.s32 $0x0;
	s6 =	simm.s32 $0x300;
	v2 =	vld.msk [tilespmem:s5+$0x0], $0xffff;
	v3 =	vadd.s32 $0xFFFFFFFF, v1  }
.LBB2_1:
0x13: {  	v5 =	vld [tilespmem:s4+$0x0];
	_ =	sdelay $0x4  }
0x14: {  	vm0 =	vne.s32 v5, v2  }
0x15: {  	v5 =	vmctz.xlane vm0;
	_ =	sdelay $0x1  }
0x16: {  	vm0 =	vlt.s32 v5, $0xF  }
0x17: {  	v6 =	vnsel vm0, $0xF, v5  }
0x18: {  	v6 =	vxor.u32 $0x80000000, v6  }
0x19: {  	(xrf0) =	vmin.scan.msk.u32 $0xffff, v6;
	_ =	sdelay $0x5  }
0x1a: {  	v6, _, _ =	vpop (xrf0)  }
0x1b: {  	(v2sf) =	vpush v6, $0xF;
	_ =	sdelay $0x7  }
0x1c: {  	vm14 =	vlt.s32 v5, $0x10  }
0x1d: {  	v6 =	vsel vm14, $0x1, v0  }
0x1e: {  	v6 =	vadd.s32 v6, v4  }
0x1f: {  	vm1 =	vlt.s32 v6, $0x7F  }
0x20: {  	v7 =	vnsel vm1, $0x7F, v6;
	_ =	sdelay $0x2  }
0x21: {  	vm15 =	vgt.s32 v5, v1;
	s7 =	spop (v2sf)  }
0x22: {  	v4 =	vsel vm15, v4, v6;
	s31 =	sadd.s32 s7, s4  }
0x23: {  	vm2 =	vgt.s32 v5, v3;
	vm1 =	vlt.s32 v4, $0x7F;
	v5 =	vld.idx.msk [tilespmem:v7+s5+$0x0], $0xffff;
	v7 =	vadd.s32 s4, v1;
	s4 =	sadd.s32 $0x80000001, s31  }
0x24: {  	v4 =	vnsel vm1, $0x7F, v4;
	p0 =	slt.s32 s4, $0x200  }
.Ltmp0:
0x25: {  	v4 =	vcvt.s32.f32 v4;
	(pc) =	sbr.rel @p0 .LBB2_1-.Ltmp0, $2  }
0x26: {  	_ =	sdelay $0x2  }
0x27: {  	v2 =	vsel vm14, v5, v2;
	[tilespmem:v7+s6+$0x0] =	vst.idx.msk vm2, v4;
	v4 =	vmov v6  }
0x28: {  	s2 =	sadd.s32 s2, s3;
	s30 =	simm.s32 $0x80  }
0x29: {  	s4 =	simm.s32 $0x400;
	s5 =	simm.s32 $0x300;
	s31 =	simm.s32 $0x1  }
0x2a: {  	[hbm4b:s2+s30] =	stream.strided.scatter [tilespmem:s5], [sflag:$0x1], $0x200, s4, s30, $0x38;
	[tilespmem:$0x580] =	vst v63  }
0x2b: {  	_ =	swait.ge [sflag:s31], $0x200  }
0x2c: {  	[sflag:s31] =	ssyncset.done $0x0  }
0x2d: {  	[sflag:s31] =	ssyncadd.s32 $0xFFFFFE00  }
0x2e: {  	_ =	sfence.sel $0x180000  }
0x2f: {  	[bflag:$0x0] =	sbarrier.arrive $0xFFFF  }
0x30: {  	p0 =	sne.s32 s1, $0x0;
	_ =	strace $0x90000047  }
0x31: {  	s0 =	sadd.s32 @!p0 $0x100000, s0;
	[bflag:$0x2] =	sbarrier.arrive $0xFFFF  }
0x32: {  	[sflag:s0] =	ssyncadd.tile.s32 @!p0 $0x1;
	_ =	shalt  }
.Lfunc_end2:
_tile_overlayer_lowered:
.L_overlay_start_2:
0x33: {  	(tag) =	ssettag $0x2  }
0x34: {  	s0 =	rddreg [dreg:$0x0];
	s2 =	stileid.u32  }
0x35: {  	s1 =	rddreg [dreg:$0x1];
	p0 =	sne.s32 s2, $0x0  }
0x36: {  	s3 =	rddreg [dreg:$0x2];
	[bflag:$0x3] =	sbarrier.arrive $0xFFFF;
	s2 =	simm.s32 @!p0 $0x1C01  }
0x37: {  	[timem:s3], [sflag:s2] =	dma.local @!p0 [hbm:s0], s1  }
0x38: {  	s0 =	simm.s32 @!p0 $0x1  }
0x39: {  	_ =	swait.ge @!p0 [sflag:s0], s1  }
0x3a: {  	s1 =	ssub.s32 @!p0 $0x0, s1;
	[sflag:s0] =	ssyncset.done @!p0 $0x0  }
0x3b: {  	[sflag:s0] =	ssyncadd.s32 @!p0 s1  }
0x3c: {  	[bflag:$0x3] =	sbarrier.arrive $0xFFFF  }
0x3d: {  	_ =	shalt  }

</sc_bundles>
